<compile_context>
chip_gen: v7x
topology: tpu7x:2x2x1
jax: 0.10.2.dev20260603
libtpu: 0.0.44.dev20260713+nightly
codegen_flags: <defaults>
</compile_context>

<pallas_src>
import functools

import jax
import jax.numpy as jnp
from jax import lax
from jax.experimental import pallas as pl
from jax.experimental.pallas import tpu as pltpu
from jax.experimental.pallas import tpu_sc as plsc

_INTERPRET = False


def _pass1_body(cap, B, E, NB, scale, x_ref, wg_ref, U_ref,
                g1_ref, g2_ref, e1_ref, e2_ref, loc1_ref, rank2_ref,
                cnt1_ref, laux_ref, carry_ref, me_acc_ref):
    i = pl.program_id(0)

    @pl.when(i == 0)
    def _init():
        carry_ref[...] = jnp.zeros_like(carry_ref)
        me_acc_ref[...] = jnp.zeros_like(me_acc_ref)

    logitsT = lax.dot_general(
        wg_ref[...], x_ref[...],
        dimension_numbers=(((1,), (1,)), ((), ())),
        preferred_element_type=jnp.float32)

    row = lax.broadcasted_iota(jnp.int32, (E, B), 0)
    m1 = jnp.max(logitsT, axis=0)
    is1 = logitsT == m1[None, :]
    e1 = jnp.min(jnp.where(is1, row, E), axis=0)
    M1 = row == e1[None, :]
    masked = jnp.where(M1, -jnp.inf, logitsT)
    m2 = jnp.max(masked, axis=0)
    is2 = masked == m2[None, :]
    e2 = jnp.min(jnp.where(is2, row, E), axis=0)
    M2 = row == e2[None, :]

    ex = jnp.exp(logitsT - m1[None, :])
    denom = jnp.sum(ex, axis=0)
    g1 = 1.0 / denom
    g2 = jnp.exp(m2 - m1) * g1
    me_acc_ref[...] += ex * g1[None, :]

    SB = U_ref.shape[0]
    M12 = jnp.concatenate([M1, M2], axis=0).astype(jnp.bfloat16)
    off = carry_ref[...]
    parts = []
    for s in range(B // SB):
        Cs = lax.dot_general(M12[:, s * SB:(s + 1) * SB], U_ref[...],
                             dimension_numbers=(((1,), (0,)), ((), ())),
                             preferred_element_type=jnp.float32) + off
        parts.append(Cs)
        off = Cs[:, SB - 1:SB]
    CC = jnp.concatenate(parts, axis=1)
    rank1 = jnp.sum(jnp.where(M1, CC[:E], 0.0), axis=0) - 1.0
    rank2 = jnp.sum(jnp.where(M2, CC[E:], 0.0), axis=0) - 1.0
    carry_ref[...] = off

    loc1 = jnp.where(rank1 < cap, rank1, 0.0)

    g1_ref[...] = g1
    g2_ref[...] = g2
    e1_ref[...] = e1
    e2_ref[...] = e2
    loc1_ref[...] = loc1.astype(jnp.int32)
    rank2_ref[...] = rank2.astype(jnp.int32)

    @pl.when(i == NB - 1)
    def _fin():
        cnt1 = carry_ref[...][:E]
        cnt1_ref[...] = cnt1
        me = jnp.sum(me_acc_ref[...], axis=1, keepdims=True)
        ce = jnp.minimum(cnt1, float(cap))
        laux_ref[...] = jnp.sum(me * ce, axis=0, keepdims=True) * scale


def _sc_pass2(rank2, e2, cnt1_i, N, E, cap):
    NC, NS = 2, 16
    NW = NC * NS
    CH = N // NW
    mesh = plsc.VectorSubcoreMesh(core_axis_name="c", subcore_axis_name="s")

    @functools.partial(
        pl.kernel, mesh=mesh,
        out_type=jax.ShapeDtypeStruct((N,), jnp.int32),
        scratch_types=[
            pltpu.VMEM((CH,), jnp.int32),
            pltpu.VMEM((CH,), jnp.int32),
            pltpu.VMEM((E,), jnp.int32),
            pltpu.VMEM((CH,), jnp.int32),
        ],
    )
    def sc2(rank2_hbm, e2_hbm, cnt1_hbm, out_hbm, r_v, e_v, c_v, o_v):
        wid = lax.axis_index("s") * NC + lax.axis_index("c")
        base = wid * CH
        pltpu.sync_copy(rank2_hbm.at[pl.ds(base, CH)], r_v)
        pltpu.sync_copy(e2_hbm.at[pl.ds(base, CH)], e_v)
        pltpu.sync_copy(cnt1_hbm, c_v)

        c0 = c_v[pl.ds(0, 16)]
        c1 = c_v[pl.ds(16, 16)]
        c2 = c_v[pl.ds(32, 16)]
        c3 = c_v[pl.ds(48, 16)]
        dnums = lax.GatherDimensionNumbers(
            offset_dims=(), collapsed_slice_dims=(0,), start_index_map=(0,))

        def tbl(cvec, lo):
            return lax.gather(cvec, lo[:, None], dnums, (1,),
                              mode=lax.GatherScatterMode.PROMISE_IN_BOUNDS)

        def body(j, carry):
            sl = pl.ds(j * 16, 16)
            idx = e_v[sl]
            lo = idx & 15
            hi = idx >> 4
            cnt = jnp.where(
                hi == 0, tbl(c0, lo),
                jnp.where(hi == 1, tbl(c1, lo),
                          jnp.where(hi == 2, tbl(c2, lo), tbl(c3, lo))))
            v = r_v[sl] + cnt
            o_v[sl] = jnp.where(v < cap, v, 0)
            return carry

        lax.fori_loop(0, CH // 16, body, 0)
        pltpu.sync_copy(o_v, out_hbm.at[pl.ds(base, CH)])

    return sc2(rank2, e2, cnt1_i)


def kernel(input, wg):
    N, D = input.shape
    E = wg.shape[0]
    B = 4096
    NB = N // B
    cap = 2 * ((N + E - 1) // E)
    scale = float(E) / (float(N) * float(N))

    SB = 256
    U = jnp.triu(jnp.ones((SB, SB), jnp.bfloat16))

    outs1 = pl.pallas_call(
        functools.partial(_pass1_body, cap, B, E, NB, scale),
        grid=(NB,),
        in_specs=[
            pl.BlockSpec((B, D), lambda i: (i, 0)),
            pl.BlockSpec((E, D), lambda i: (0, 0)),
            pl.BlockSpec((SB, SB), lambda i: (0, 0)),
        ],
        out_specs=[
            pl.BlockSpec((B,), lambda i: (i,)),
            pl.BlockSpec((B,), lambda i: (i,)),
            pl.BlockSpec((B,), lambda i: (i,)),
            pl.BlockSpec((B,), lambda i: (i,)),
            pl.BlockSpec((B,), lambda i: (i,)),
            pl.BlockSpec((B,), lambda i: (i,)),
            pl.BlockSpec((E, 1), lambda i: (0, 0)),
            pl.BlockSpec((1, 1), lambda i: (0, 0)),
        ],
        out_shape=[
            jax.ShapeDtypeStruct((N,), jnp.float32),
            jax.ShapeDtypeStruct((N,), jnp.float32),
            jax.ShapeDtypeStruct((N,), jnp.int32),
            jax.ShapeDtypeStruct((N,), jnp.int32),
            jax.ShapeDtypeStruct((N,), jnp.int32),
            jax.ShapeDtypeStruct((N,), jnp.int32),
            jax.ShapeDtypeStruct((E, 1), jnp.float32),
            jax.ShapeDtypeStruct((1, 1), jnp.float32),
        ],
        scratch_shapes=[
            pltpu.VMEM((2 * E, 1), jnp.float32),
            pltpu.VMEM((E, B), jnp.float32),
        ],
        interpret=_INTERPRET,
    )(input, wg, U)
    g1, g2, e1, e2, loc1, rank2, cnt1, laux = outs1

    cnt1_i = cnt1.reshape(E).astype(jnp.int32)
    loc2 = _sc_pass2(rank2, e2, cnt1_i, N, E, cap)

    return (laux[0, 0], g1, g2, e1, e2, loc1, loc2)

# --- scband reference (transcript-rebuilt; emitter-appended) ---
"""Pipeline reference for scband-top2-gate-6536940225051 (READ-ONLY COPY).

The authoritative reference and input builder live on the scoring server;
editing this copy changes nothing except your own understanding.
"""

import jax, jax.numpy as jnp
import numpy as np

MODEL_DIM = 768
NUM_EXPERTS = 64
CAPACITY_FACTOR = 1.0
NUM_TOKENS = 32768


def setup_inputs(seed: int = 0) -> dict:
    key = jax.random.key(seed)
    k1, k2 = jax.random.split(key)
    x = jax.random.normal(k1, (NUM_TOKENS, MODEL_DIM), dtype=jnp.float32)
    wg = jax.random.normal(k2, (NUM_EXPERTS, MODEL_DIM), dtype=jnp.float32) * (1.0 / np.sqrt(MODEL_DIM))
    return {"input": x, "wg": wg}


def reference(input, wg):
    # logits = Linear(model_dim -> num_experts, bias=False)
    logits = input @ wg.T
    num_samples = logits.shape[0]
    capacity = 2 * int(CAPACITY_FACTOR * ((num_samples + NUM_EXPERTS - 1) // NUM_EXPERTS))

    top2_indices = jax.lax.top_k(logits, 2)[1]
    indices1_s = top2_indices[:, 0]
    indices2_s = top2_indices[:, 1]

    mask1 = jax.nn.one_hot(indices1_s, NUM_EXPERTS, dtype=jnp.int32)
    mask2 = jax.nn.one_hot(indices2_s, NUM_EXPERTS, dtype=jnp.int32)

    gates = jax.nn.softmax(logits, axis=1)
    gates1_s = jnp.sum(gates * mask1, axis=1)
    gates2_s = jnp.sum(gates * mask2, axis=1)

    locations1 = jnp.cumsum(mask1, axis=0) - 1
    locations2 = jnp.cumsum(mask2, axis=0) - 1
    locations2 = locations2 + jnp.sum(mask1, axis=0, keepdims=True)

    mask1 = mask1 * (locations1 < capacity).astype(mask1.dtype)
    mask2 = mask2 * (locations2 < capacity).astype(mask2.dtype)

    locations1_s = jnp.sum(locations1 * mask1, axis=1)
    locations2_s = jnp.sum(locations2 * mask2, axis=1)

    # use_fp32 / float32 branch of l_aux
    me = jnp.sum(gates.astype(jnp.float32), axis=0)
    ce = jnp.sum(mask1.astype(jnp.float32), axis=0)
    l_aux = jnp.sum(me * ce) * (NUM_EXPERTS / (num_samples * num_samples))

    return (l_aux,
            gates1_s, gates2_s,
            indices1_s.astype(jnp.int32), indices2_s.astype(jnp.int32),
            locations1_s.astype(jnp.int32), locations2_s.astype(jnp.int32))

if __name__ == "__main__":
    import jax
    _d = setup_inputs()
    print(jax.jit(kernel)(*tuple(_d.values())))

</pallas_src>

<mosaic_0001>
#map = affine_map<(d0, d1) -> (0)>
module attributes {stable_mosaic.version = 14 : i64} {
  func.func @sc2(%arg0: i32, %arg1: i32, %arg2: memref<32768xi32, #tpu.memory_space<hbm>>, %arg3: memref<32768xi32, #tpu.memory_space<hbm>>, %arg4: memref<64xi32, #tpu.memory_space<hbm>>, %arg5: memref<32768xi32, #tpu.memory_space<hbm>>, %arg6: memref<1024xi32, #tpu.memory_space<vmem>>, %arg7: memref<1024xi32, #tpu.memory_space<vmem>>, %arg8: memref<64xi32, #tpu.memory_space<vmem>>, %arg9: memref<1024xi32, #tpu.memory_space<vmem>>) attributes {dimension_semantics = [#tpu.dimension_semantics<core_parallel>, #tpu.dimension_semantics<subcore_parallel>], iteration_bounds = array<i64: 2, 16>, scalar_prefetch = 0 : i64, scratch_operands = 4 : i64, tpu.core_type = #tpu.core_type<sc_vector_subcore>, window_params = [{transform_indices = #map}, {transform_indices = #map}, {transform_indices = #map}, {transform_indices = #map}]} {
    %mul3A = arith.constant 2 : i32
    %mul3A_0 = arith.muli %arg1, %mul3A : i32
    %add3A = arith.addi %mul3A_0, %arg0 : i32
    %mul3A_1 = arith.constant 1024 : i32
    %mul3A_2 = arith.muli %add3A, %mul3A_1 : i32
    "tpu.region"() ({
      %run_scoped3A = tpu.sem_alloc : memref<!tpu.dma_semaphore, #tpu.memory_space<semaphore_mem>>
      %dma_start3A = tpu.memref_slice %arg2[%mul3A_2] : memref<32768xi32, #tpu.memory_space<hbm>> -> memref<1024xi32, #tpu.memory_space<hbm>>
      %dma_start3A_19 = tpu.memref_slice %arg2[%mul3A_2] : memref<32768xi32, #tpu.memory_space<hbm>> -> memref<1024xi32, #tpu.memory_space<hbm>>
      tpu.enqueue_dma source(%dma_start3A_19 : memref<1024xi32, #tpu.memory_space<hbm>>) target(%arg6 : memref<1024xi32, #tpu.memory_space<vmem>>) target_semaphore(%run_scoped3A : memref<!tpu.dma_semaphore, #tpu.memory_space<semaphore_mem>>)
      %dma_wait3A = tpu.memref_slice %arg2[%mul3A_2] : memref<32768xi32, #tpu.memory_space<hbm>> -> memref<1024xi32, #tpu.memory_space<hbm>>
      %dma_wait3A_20 = tpu.memref_slice %arg2[%mul3A_2] : memref<32768xi32, #tpu.memory_space<hbm>> -> memref<1024xi32, #tpu.memory_space<hbm>>
      tpu.wait_dma2 semaphore(%run_scoped3A : memref<!tpu.dma_semaphore, #tpu.memory_space<semaphore_mem>>) src(%dma_wait3A_20 : memref<1024xi32, #tpu.memory_space<hbm>>) dst(%arg6 : memref<1024xi32, #tpu.memory_space<vmem>>)
      tpu.yield
    }) : () -> ()
    "tpu.region"() ({
      %run_scoped3A = tpu.sem_alloc : memref<!tpu.dma_semaphore, #tpu.memory_space<semaphore_mem>>
      %dma_start3A = tpu.memref_slice %arg3[%mul3A_2] : memref<32768xi32, #tpu.memory_space<hbm>> -> memref<1024xi32, #tpu.memory_space<hbm>>
      %dma_start3A_19 = tpu.memref_slice %arg3[%mul3A_2] : memref<32768xi32, #tpu.memory_space<hbm>> -> memref<1024xi32, #tpu.memory_space<hbm>>
      tpu.enqueue_dma source(%dma_start3A_19 : memref<1024xi32, #tpu.memory_space<hbm>>) target(%arg7 : memref<1024xi32, #tpu.memory_space<vmem>>) target_semaphore(%run_scoped3A : memref<!tpu.dma_semaphore, #tpu.memory_space<semaphore_mem>>)
      %dma_wait3A = tpu.memref_slice %arg3[%mul3A_2] : memref<32768xi32, #tpu.memory_space<hbm>> -> memref<1024xi32, #tpu.memory_space<hbm>>
      %dma_wait3A_20 = tpu.memref_slice %arg3[%mul3A_2] : memref<32768xi32, #tpu.memory_space<hbm>> -> memref<1024xi32, #tpu.memory_space<hbm>>
      tpu.wait_dma2 semaphore(%run_scoped3A : memref<!tpu.dma_semaphore, #tpu.memory_space<semaphore_mem>>) src(%dma_wait3A_20 : memref<1024xi32, #tpu.memory_space<hbm>>) dst(%arg7 : memref<1024xi32, #tpu.memory_space<vmem>>)
      tpu.yield
    }) : () -> ()
    "tpu.region"() ({
      %run_scoped3A = tpu.sem_alloc : memref<!tpu.dma_semaphore, #tpu.memory_space<semaphore_mem>>
      tpu.enqueue_dma source(%arg4 : memref<64xi32, #tpu.memory_space<hbm>>) target(%arg8 : memref<64xi32, #tpu.memory_space<vmem>>) target_semaphore(%run_scoped3A : memref<!tpu.dma_semaphore, #tpu.memory_space<semaphore_mem>>)
      tpu.wait_dma2 semaphore(%run_scoped3A : memref<!tpu.dma_semaphore, #tpu.memory_space<semaphore_mem>>) src(%arg4 : memref<64xi32, #tpu.memory_space<hbm>>) dst(%arg8 : memref<64xi32, #tpu.memory_space<vmem>>)
      tpu.yield
    }) : () -> ()
    %get3A = arith.constant 0 : index
    %get3A_3 = tpu.vector_load %arg8[%get3A] {strides = array<i32>} : memref<64xi32, #tpu.memory_space<vmem>>, vector<16xi32>,
    %get3A_4 = vector.shape_cast %get3A_3 : vector<16xi32> to vector<16xi32>
    %get3A_5 = arith.constant 16 : index
    %get3A_6 = tpu.vector_load %arg8[%get3A_5] {strides = array<i32>} : memref<64xi32, #tpu.memory_space<vmem>>, vector<16xi32>,
    %get3A_7 = vector.shape_cast %get3A_6 : vector<16xi32> to vector<16xi32>
    %get3A_8 = arith.constant 32 : index
    %get3A_9 = tpu.vector_load %arg8[%get3A_8] {strides = array<i32>} : memref<64xi32, #tpu.memory_space<vmem>>, vector<16xi32>,
    %get3A_10 = vector.shape_cast %get3A_9 : vector<16xi32> to vector<16xi32>
    %get3A_11 = arith.constant 48 : index
    %get3A_12 = tpu.vector_load %arg8[%get3A_11] {strides = array<i32>} : memref<64xi32, #tpu.memory_space<vmem>>, vector<16xi32>,
    %get3A_13 = vector.shape_cast %get3A_12 : vector<16xi32> to vector<16xi32>
    %scan3A = arith.constant 0 : i32
    %scan3A_14 = arith.constant 0 : i32
    %scan3A_15 = arith.constant 64 : i32
    %scan3A_16 = arith.addi %scan3A_14, %scan3A_15 : i32
    %scan3A_17 = arith.constant 1 : i32
    scf.for %scan3A_19 = %scan3A_14 to %scan3A_16 step %scan3A_17  : i32 {
      %mul3A_20 = arith.constant 16 : i32
      %mul3A_21 = arith.muli %scan3A_19, %mul3A_20 : i32
      %get3A_22 = arith.index_cast %mul3A_21 : i32 to index
      %get3A_23 = tpu.vector_load %arg7[%get3A_22] {strides = array<i32>} : memref<1024xi32, #tpu.memory_space<vmem>>, vector<16xi32>,
      %get3A_24 = vector.shape_cast %get3A_23 : vector<16xi32> to vector<16xi32>
      %and3A = arith.constant 15 : i32
      %and3A_25 = vector.broadcast %and3A : i32 to vector<16xi32>
      %and3A_26 = arith.andi %get3A_24, %and3A_25 : vector<16xi32>
      %shift_right_arithmetic3A = arith.constant 4 : i32
      %shift_right_arithmetic3A_27 = vector.broadcast %shift_right_arithmetic3A : i32 to vector<16xi32>
      %shift_right_arithmetic3A_28 = arith.shrsi %get3A_24, %shift_right_arithmetic3A_27 : vector<16xi32>
      %eq3A = arith.constant 0 : i32
      %eq3A_29 = vector.broadcast %eq3A : i32 to vector<16xi32>
      %eq3A_30 = arith.cmpi eq, %shift_right_arithmetic3A_28, %eq3A_29 : vector<16xi32>
      %broadcast_in_dim3A = vector.shape_cast %and3A_26 : vector<16xi32> to vector<16x1xi32>
      %gather3A = vector.shape_cast %broadcast_in_dim3A : vector<16x1xi32> to vector<16xi32>
      %gather3A_31 = tpu.dynamic_gather %get3A_4[%gather3A] in [0] : vector<16xi32>, vector<16xi32> -> vector<16xi32>
      %eq3A_32 = arith.constant 1 : i32
      %eq3A_33 = vector.broadcast %eq3A_32 : i32 to vector<16xi32>
      %eq3A_34 = arith.cmpi eq, %shift_right_arithmetic3A_28, %eq3A_33 : vector<16xi32>
      %broadcast_in_dim3A_35 = vector.shape_cast %and3A_26 : vector<16xi32> to vector<16x1xi32>
      %gather3A_36 = vector.shape_cast %broadcast_in_dim3A_35 : vector<16x1xi32> to vector<16xi32>
      %gather3A_37 = tpu.dynamic_gather %get3A_7[%gather3A_36] in [0] : vector<16xi32>, vector<16xi32> -> vector<16xi32>
      %eq3A_38 = arith.constant 2 : i32
      %eq3A_39 = vector.broadcast %eq3A_38 : i32 to vector<16xi32>
      %eq3A_40 = arith.cmpi eq, %shift_right_arithmetic3A_28, %eq3A_39 : vector<16xi32>
      %broadcast_in_dim3A_41 = vector.shape_cast %and3A_26 : vector<16xi32> to vector<16x1xi32>
      %gather3A_42 = vector.shape_cast %broadcast_in_dim3A_41 : vector<16x1xi32> to vector<16xi32>
      %gather3A_43 = tpu.dynamic_gather %get3A_10[%gather3A_42] in [0] : vector<16xi32>, vector<16xi32> -> vector<16xi32>
      %broadcast_in_dim3A_44 = vector.shape_cast %and3A_26 : vector<16xi32> to vector<16x1xi32>
      %gather3A_45 = vector.shape_cast %broadcast_in_dim3A_44 : vector<16x1xi32> to vector<16xi32>
      %gather3A_46 = tpu.dynamic_gather %get3A_13[%gather3A_45] in [0] : vector<16xi32>, vector<16xi32> -> vector<16xi32>
      %select_n3A = arith.select %eq3A_40, %gather3A_43, %gather3A_46 : vector<16xi1>, vector<16xi32>
      %select_n3A_47 = arith.select %eq3A_34, %gather3A_37, %select_n3A : vector<16xi1>, vector<16xi32>
      %select_n3A_48 = arith.select %eq3A_30, %gather3A_31, %select_n3A_47 : vector<16xi1>, vector<16xi32>
      %get3A_49 = arith.index_cast %mul3A_21 : i32 to index
      %get3A_50 = tpu.vector_load %arg6[%get3A_49] {strides = array<i32>} : memref<1024xi32, #tpu.memory_space<vmem>>, vector<16xi32>,
      %get3A_51 = vector.shape_cast %get3A_50 : vector<16xi32> to vector<16xi32>
      %add3A_52 = arith.addi %get3A_51, %select_n3A_48 : vector<16xi32>
      %lt3A = arith.constant 1024 : i32
      %lt3A_53 = vector.broadcast %lt3A : i32 to vector<16xi32>
      %lt3A_54 = arith.cmpi slt, %add3A_52, %lt3A_53 : vector<16xi32>
      %jit3A = arith.constant 0 : i32
      %broadcast_in_dim3A_55 = vector.broadcast %jit3A : i32 to vector<16xi32>
      %select_n3A_56 = arith.select %lt3A_54, %add3A_52, %broadcast_in_dim3A_55 : vector<16xi1>, vector<16xi32>
      %swap3A = arith.index_cast %mul3A_21 : i32 to index
      %swap3A_57 = tpu.vector_load %arg9[%swap3A] {strides = array<i32>} : memref<1024xi32, #tpu.memory_space<vmem>>, vector<16xi32>,
      %swap3A_58 = vector.shape_cast %swap3A_57 : vector<16xi32> to vector<16xi32>
      %swap3A_59 = vector.shape_cast %select_n3A_56 : vector<16xi32> to vector<16xi32>
      tpu.vector_store %arg9[%swap3A], %swap3A_59 {strides = array<i32>} : memref<1024xi32, #tpu.memory_space<vmem>>, vector<16xi32>,
    }
    %scan3A_18 = arith.constant 64 : i32
    "tpu.region"() ({
      %run_scoped3A = tpu.sem_alloc : memref<!tpu.dma_semaphore, #tpu.memory_space<semaphore_mem>>
      %dma_start3A = tpu.memref_slice %arg5[%mul3A_2] : memref<32768xi32, #tpu.memory_space<hbm>> -> memref<1024xi32, #tpu.memory_space<hbm>>
      %dma_start3A_19 = tpu.memref_slice %arg5[%mul3A_2] : memref<32768xi32, #tpu.memory_space<hbm>> -> memref<1024xi32, #tpu.memory_space<hbm>>
      tpu.enqueue_dma source(%arg9 : memref<1024xi32, #tpu.memory_space<vmem>>) target(%dma_start3A_19 : memref<1024xi32, #tpu.memory_space<hbm>>) target_semaphore(%run_scoped3A : memref<!tpu.dma_semaphore, #tpu.memory_space<semaphore_mem>>)
      %dma_wait3A = tpu.memref_slice %arg5[%mul3A_2] : memref<32768xi32, #tpu.memory_space<hbm>> -> memref<1024xi32, #tpu.memory_space<hbm>>
      %dma_wait3A_20 = tpu.memref_slice %arg5[%mul3A_2] : memref<32768xi32, #tpu.memory_space<hbm>> -> memref<1024xi32, #tpu.memory_space<hbm>>
      tpu.wait_dma2 semaphore(%run_scoped3A : memref<!tpu.dma_semaphore, #tpu.memory_space<semaphore_mem>>) src(%arg9 : memref<1024xi32, #tpu.memory_space<vmem>>) dst(%dma_wait3A_20 : memref<1024xi32, #tpu.memory_space<hbm>>)
      tpu.yield
    }) : () -> ()
    return
  }
}

module attributes {stable_mosaic.version = 14 : i64} {
  func.func @_pass1_body(%arg0: i32, %arg1: memref<4096x768xf32, #tpu.memory_space<vmem>>, %arg2: memref<64x768xf32, #tpu.memory_space<vmem>>, %arg3: memref<256x256xbf16, #tpu.memory_space<vmem>>, %arg4: memref<4096xf32, #tpu.memory_space<vmem>>, %arg5: memref<4096xf32, #tpu.memory_space<vmem>>, %arg6: memref<4096xi32, #tpu.memory_space<vmem>>, %arg7: memref<4096xi32, #tpu.memory_space<vmem>>, %arg8: memref<4096xi32, #tpu.memory_space<vmem>>, %arg9: memref<4096xi32, #tpu.memory_space<vmem>>, %arg10: memref<64x1xf32, #tpu.memory_space<vmem>>, %arg11: memref<1x1xf32, #tpu.memory_space<vmem>>, %arg12: memref<128x1xf32, #tpu.memory_space<vmem>>, %arg13: memref<64x4096xf32, #tpu.memory_space<vmem>>) attributes {dimension_semantics = [#tpu.dimension_semantics<arbitrary>], iteration_bounds = array<i64: 8>, scalar_prefetch = 0 : i64, scratch_operands = 2 : i64, tpu.core_type = #tpu.core_type<tc>, window_params = [{transform_indices = @transform_0, window_bounds = array<i64: 4096, 768>}, {pipeline_mode = #tpu.pipeline_mode<synchronous>, transform_indices = @transform_1, window_bounds = array<i64: 64, 768>}, {pipeline_mode = #tpu.pipeline_mode<synchronous>, transform_indices = @transform_2, window_bounds = array<i64: 256, 256>}, {transform_indices = @transform_3, window_bounds = array<i64: 4096>}, {transform_indices = @transform_4, window_bounds = array<i64: 4096>}, {transform_indices = @transform_5, window_bounds = array<i64: 4096>}, {transform_indices = @transform_6, window_bounds = array<i64: 4096>}, {transform_indices = @transform_7, window_bounds = array<i64: 4096>}, {transform_indices = @transform_8, window_bounds = array<i64: 4096>}, {pipeline_mode = #tpu.pipeline_mode<synchronous>, transform_indices = @transform_9, window_bounds = array<i64: 64, 1>}, {pipeline_mode = #tpu.pipeline_mode<synchronous>, transform_indices = @transform_10, window_bounds = array<i64: 1, 1>}]} {
    %eq3A = arith.constant 0 : i32
    %eq3A_0 = arith.cmpi eq, %arg0, %eq3A : i32
    %convert_element_type3A = arith.extui %eq3A_0 : i1 to i32
    %cond3A = arith.constant 0 : i32
    %cond3A_1 = arith.cmpi ne, %convert_element_type3A, %cond3A : i32
    scf.if %cond3A_1 {
      %broadcast_in_dim3A_242 = arith.constant 0.000000e+00 : f32
      %broadcast_in_dim3A_243 = vector.broadcast %broadcast_in_dim3A_242 : f32 to vector<128x1xf32>
      %swap3A_244 = arith.constant 0 : index
      %swap3A_245 = arith.constant 0 : index
      %swap3A_246 = vector.load %arg12[%swap3A_244, %swap3A_245] : memref<128x1xf32, #tpu.memory_space<vmem>>, vector<128x1xf32>
      tpu.vector_store %arg12[%swap3A_244, %swap3A_245], %broadcast_in_dim3A_243 {strides = array<i32>} : memref<128x1xf32, #tpu.memory_space<vmem>>, vector<128x1xf32>,
      %broadcast_in_dim3A_247 = arith.constant 0.000000e+00 : f32
      %broadcast_in_dim3A_248 = vector.broadcast %broadcast_in_dim3A_247 : f32 to vector<64x4096xf32>
      %swap3A_249 = arith.constant 0 : index
      %swap3A_250 = arith.constant 0 : index
      %swap3A_251 = vector.load %arg13[%swap3A_249, %swap3A_250] : memref<64x4096xf32, #tpu.memory_space<vmem>>, vector<64x4096xf32>
      tpu.vector_store %arg13[%swap3A_249, %swap3A_250], %broadcast_in_dim3A_248 {strides = array<i32>} : memref<64x4096xf32, #tpu.memory_space<vmem>>, vector<64x4096xf32>,
    } else {
    }
    %get3A = arith.constant 0 : index
    %get3A_2 = arith.constant 0 : index
    %get3A_3 = vector.load %arg2[%get3A, %get3A_2] : memref<64x768xf32, #tpu.memory_space<vmem>>, vector<64x768xf32>
    %get3A_4 = arith.constant 0 : index
    %get3A_5 = arith.constant 0 : index
    %get3A_6 = vector.load %arg1[%get3A_4, %get3A_5] : memref<4096x768xf32, #tpu.memory_space<vmem>>, vector<4096x768xf32>
    %dot_general3A = arith.constant dense<0.000000e+00> : vector<64x4096xf32>
    %dot_general3A_7 = tpu.matmul %get3A_3, %get3A_6, %dot_general3A {dimension_numbers = #tpu.dot_dimension_numbers<[1], [1], [0], [0], [0, 0, 1, 0], [], []>, transpose_lhs_hint = false} : vector<64x768xf32>, vector<4096x768xf32>, vector<64x4096xf32> -> vector<64x4096xf32>
    %iota3A = tpu.iota {dimensions = array<i32: 0>} : vector<64x4096xi32>
    %reduce_max3A = arith.constant dense<0xFF800000> : vector<4096xf32>
    %reduce_max3A_8 = vector.multi_reduction <maximumf>, %dot_general3A_7, %reduce_max3A [0] : vector<64x4096xf32> to vector<4096xf32>
    %broadcast_in_dim3A = vector.shape_cast %reduce_max3A_8 : vector<4096xf32> to vector<1x4096xf32>
    %eq3A_9 = vector.broadcast %broadcast_in_dim3A : vector<1x4096xf32> to vector<64x4096xf32>
    %eq3A_10 = arith.cmpf oeq, %dot_general3A_7, %eq3A_9 : vector<64x4096xf32>
    %jit3A = arith.constant 64 : i32
    %broadcast_in_dim3A_11 = vector.broadcast %jit3A : i32 to vector<64x4096xi32>
    %select_n3A = arith.select %eq3A_10, %iota3A, %broadcast_in_dim3A_11 : vector<64x4096xi1>, vector<64x4096xi32>
    %reduce_min3A = arith.constant dense<2147483647> : vector<4096xi32>
    %reduce_min3A_12 = vector.multi_reduction <minsi>, %select_n3A, %reduce_min3A [0] : vector<64x4096xi32> to vector<4096xi32>
    %broadcast_in_dim3A_13 = vector.shape_cast %reduce_min3A_12 : vector<4096xi32> to vector<1x4096xi32>
    %eq3A_14 = vector.broadcast %broadcast_in_dim3A_13 : vector<1x4096xi32> to vector<64x4096xi32>
    %eq3A_15 = arith.cmpi eq, %iota3A, %eq3A_14 : vector<64x4096xi32>
    %jit3A_16 = arith.constant 0xFF800000 : f32
    %broadcast_in_dim3A_17 = vector.broadcast %jit3A_16 : f32 to vector<64x4096xf32>
    %select_n3A_18 = arith.select %eq3A_15, %broadcast_in_dim3A_17, %dot_general3A_7 : vector<64x4096xi1>, vector<64x4096xf32>
    %reduce_max3A_19 = arith.constant dense<0xFF800000> : vector<4096xf32>
    %reduce_max3A_20 = vector.multi_reduction <maximumf>, %select_n3A_18, %reduce_max3A_19 [0] : vector<64x4096xf32> to vector<4096xf32>
    %broadcast_in_dim3A_21 = vector.shape_cast %reduce_max3A_20 : vector<4096xf32> to vector<1x4096xf32>
    %eq3A_22 = vector.broadcast %broadcast_in_dim3A_21 : vector<1x4096xf32> to vector<64x4096xf32>
    %eq3A_23 = arith.cmpf oeq, %select_n3A_18, %eq3A_22 : vector<64x4096xf32>
    %jit3A_24 = arith.constant 64 : i32
    %broadcast_in_dim3A_25 = vector.broadcast %jit3A_24 : i32 to vector<64x4096xi32>
    %select_n3A_26 = arith.select %eq3A_23, %iota3A, %broadcast_in_dim3A_25 : vector<64x4096xi1>, vector<64x4096xi32>
    %reduce_min3A_27 = arith.constant dense<2147483647> : vector<4096xi32>
    %reduce_min3A_28 = vector.multi_reduction <minsi>, %select_n3A_26, %reduce_min3A_27 [0] : vector<64x4096xi32> to vector<4096xi32>
    %broadcast_in_dim3A_29 = vector.shape_cast %reduce_min3A_28 : vector<4096xi32> to vector<1x4096xi32>
    %eq3A_30 = vector.broadcast %broadcast_in_dim3A_29 : vector<1x4096xi32> to vector<64x4096xi32>
    %eq3A_31 = arith.cmpi eq, %iota3A, %eq3A_30 : vector<64x4096xi32>
    %broadcast_in_dim3A_32 = vector.shape_cast %reduce_max3A_8 : vector<4096xf32> to vector<1x4096xf32>
    %sub3A = vector.broadcast %broadcast_in_dim3A_32 : vector<1x4096xf32> to vector<64x4096xf32>
    %sub3A_33 = arith.subf %dot_general3A_7, %sub3A : vector<64x4096xf32>
    %exp3A = math.exp %sub3A_33 : vector<64x4096xf32>
    %reduce_sum3A = arith.constant dense<0.000000e+00> : vector<4096xf32>
    %reduce_sum3A_34 = vector.multi_reduction <add>, %exp3A, %reduce_sum3A [0] : vector<64x4096xf32> to vector<4096xf32>
    %div3A = arith.constant 1.000000e+00 : f32
    %div3A_35 = vector.broadcast %div3A : f32 to vector<4096xf32>
    %div3A_36 = arith.divf %div3A_35, %reduce_sum3A_34 : vector<4096xf32>
    %sub3A_37 = arith.subf %reduce_max3A_20, %reduce_max3A_8 : vector<4096xf32>
    %exp3A_38 = math.exp %sub3A_37 : vector<4096xf32>
    %mul3A = arith.mulf %exp3A_38, %div3A_36 : vector<4096xf32>
    %get3A_39 = arith.constant 0 : index
    %get3A_40 = arith.constant 0 : index
    %get3A_41 = vector.load %arg13[%get3A_39, %get3A_40] : memref<64x4096xf32, #tpu.memory_space<vmem>>, vector<64x4096xf32>
    %broadcast_in_dim3A_42 = vector.shape_cast %div3A_36 : vector<4096xf32> to vector<1x4096xf32>
    %mul3A_43 = vector.broadcast %broadcast_in_dim3A_42 : vector<1x4096xf32> to vector<64x4096xf32>
    %mul3A_44 = arith.mulf %exp3A, %mul3A_43 : vector<64x4096xf32>
    %add3A = arith.addf %get3A_41, %mul3A_44 : vector<64x4096xf32>
    %swap3A = arith.constant 0 : index
    %swap3A_45 = arith.constant 0 : index
    %swap3A_46 = vector.load %arg13[%swap3A, %swap3A_45] : memref<64x4096xf32, #tpu.memory_space<vmem>>, vector<64x4096xf32>
    tpu.vector_store %arg13[%swap3A, %swap3A_45], %add3A {strides = array<i32>} : memref<64x4096xf32, #tpu.memory_space<vmem>>, vector<64x4096xf32>,
    %concatenate3A = tpu.concatenate %eq3A_15, %eq3A_31 in 0 : vector<64x4096xi1>, vector<64x4096xi1> -> vector<128x4096xi1>
    %convert_element_type3A_47 = arith.extui %concatenate3A : vector<128x4096xi1> to vector<128x4096xi32>
    %convert_element_type3A_48 = arith.sitofp %convert_element_type3A_47 : vector<128x4096xi32> to vector<128x4096xf32>
    %convert_element_type3A_49 = arith.truncf %convert_element_type3A_48 : vector<128x4096xf32> to vector<128x4096xbf16>
    %get3A_50 = arith.constant 0 : index
    %get3A_51 = arith.constant 0 : index
    %get3A_52 = vector.load %arg12[%get3A_50, %get3A_51] : memref<128x1xf32, #tpu.memory_space<vmem>>, vector<128x1xf32>
    %slice3A = vector.extract_strided_slice %convert_element_type3A_49 {offsets = [0, 0], sizes = [128, 256], strides = [1, 1]} : vector<128x4096xbf16> to vector<128x256xbf16>
    %get3A_53 = arith.constant 0 : index
    %get3A_54 = arith.constant 0 : index
    %get3A_55 = vector.load %arg3[%get3A_53, %get3A_54] : memref<256x256xbf16, #tpu.memory_space<vmem>>, vector<256x256xbf16>
    %dot_general3A_56 = arith.constant dense<0.000000e+00> : vector<128x256xf32>
    %dot_general3A_57 = tpu.matmul %slice3A, %get3A_55, %dot_general3A_56 {dimension_numbers = #tpu.dot_dimension_numbers<[1], [0], [0], [1], [0, 0, 1, 1], [], []>, transpose_lhs_hint = false} : vector<128x256xbf16>, vector<256x256xbf16>, vector<128x256xf32> -> vector<128x256xf32>
    %add3A_58 = vector.broadcast %get3A_52 : vector<128x1xf32> to vector<128x256xf32>
    %add3A_59 = arith.addf %dot_general3A_57, %add3A_58 : vector<128x256xf32>
    %slice3A_60 = vector.extract_strided_slice %add3A_59 {offsets = [0, 255], sizes = [128, 1], strides = [1, 1]} : vector<128x256xf32> to vector<128x1xf32>
    %slice3A_61 = vector.extract_strided_slice %convert_element_type3A_49 {offsets = [0, 256], sizes = [128, 256], strides = [1, 1]} : vector<128x4096xbf16> to vector<128x256xbf16>
    %get3A_62 = arith.constant 0 : index
    %get3A_63 = arith.constant 0 : index
    %get3A_64 = vector.load %arg3[%get3A_62, %get3A_63] : memref<256x256xbf16, #tpu.memory_space<vmem>>, vector<256x256xbf16>
    %dot_general3A_65 = arith.constant dense<0.000000e+00> : vector<128x256xf32>
    %dot_general3A_66 = tpu.matmul %slice3A_61, %get3A_64, %dot_general3A_65 {dimension_numbers = #tpu.dot_dimension_numbers<[1], [0], [0], [1], [0, 0, 1, 1], [], []>, transpose_lhs_hint = false} : vector<128x256xbf16>, vector<256x256xbf16>, vector<128x256xf32> -> vector<128x256xf32>
    %add3A_67 = vector.broadcast %slice3A_60 : vector<128x1xf32> to vector<128x256xf32>
    %add3A_68 = arith.addf %dot_general3A_66, %add3A_67 : vector<128x256xf32>
    %slice3A_69 = vector.extract_strided_slice %add3A_68 {offsets = [0, 255], sizes = [128, 1], strides = [1, 1]} : vector<128x256xf32> to vector<128x1xf32>
    %slice3A_70 = vector.extract_strided_slice %convert_element_type3A_49 {offsets = [0, 512], sizes = [128, 256], strides = [1, 1]} : vector<128x4096xbf16> to vector<128x256xbf16>
    %get3A_71 = arith.constant 0 : index
    %get3A_72 = arith.constant 0 : index
    %get3A_73 = vector.load %arg3[%get3A_71, %get3A_72] : memref<256x256xbf16, #tpu.memory_space<vmem>>, vector<256x256xbf16>
    %dot_general3A_74 = arith.constant dense<0.000000e+00> : vector<128x256xf32>
    %dot_general3A_75 = tpu.matmul %slice3A_70, %get3A_73, %dot_general3A_74 {dimension_numbers = #tpu.dot_dimension_numbers<[1], [0], [0], [1], [0, 0, 1, 1], [], []>, transpose_lhs_hint = false} : vector<128x256xbf16>, vector<256x256xbf16>, vector<128x256xf32> -> vector<128x256xf32>
    %add3A_76 = vector.broadcast %slice3A_69 : vector<128x1xf32> to vector<128x256xf32>
    %add3A_77 = arith.addf %dot_general3A_75, %add3A_76 : vector<128x256xf32>
    %slice3A_78 = vector.extract_strided_slice %add3A_77 {offsets = [0, 255], sizes = [128, 1], strides = [1, 1]} : vector<128x256xf32> to vector<128x1xf32>
    %slice3A_79 = vector.extract_strided_slice %convert_element_type3A_49 {offsets = [0, 768], sizes = [128, 256], strides = [1, 1]} : vector<128x4096xbf16> to vector<128x256xbf16>
    %get3A_80 = arith.constant 0 : index
    %get3A_81 = arith.constant 0 : index
    %get3A_82 = vector.load %arg3[%get3A_80, %get3A_81] : memref<256x256xbf16, #tpu.memory_space<vmem>>, vector<256x256xbf16>
    %dot_general3A_83 = arith.constant dense<0.000000e+00> : vector<128x256xf32>
    %dot_general3A_84 = tpu.matmul %slice3A_79, %get3A_82, %dot_general3A_83 {dimension_numbers = #tpu.dot_dimension_numbers<[1], [0], [0], [1], [0, 0, 1, 1], [], []>, transpose_lhs_hint = false} : vector<128x256xbf16>, vector<256x256xbf16>, vector<128x256xf32> -> vector<128x256xf32>
    %add3A_85 = vector.broadcast %slice3A_78 : vector<128x1xf32> to vector<128x256xf32>
    %add3A_86 = arith.addf %dot_general3A_84, %add3A_85 : vector<128x256xf32>
    %slice3A_87 = vector.extract_strided_slice %add3A_86 {offsets = [0, 255], sizes = [128, 1], strides = [1, 1]} : vector<128x256xf32> to vector<128x1xf32>
    %slice3A_88 = vector.extract_strided_slice %convert_element_type3A_49 {offsets = [0, 1024], sizes = [128, 256], strides = [1, 1]} : vector<128x4096xbf16> to vector<128x256xbf16>
    %get3A_89 = arith.constant 0 : index
    %get3A_90 = arith.constant 0 : index
    %get3A_91 = vector.load %arg3[%get3A_89, %get3A_90] : memref<256x256xbf16, #tpu.memory_space<vmem>>, vector<256x256xbf16>
    %dot_general3A_92 = arith.constant dense<0.000000e+00> : vector<128x256xf32>
    %dot_general3A_93 = tpu.matmul %slice3A_88, %get3A_91, %dot_general3A_92 {dimension_numbers = #tpu.dot_dimension_numbers<[1], [0], [0], [1], [0, 0, 1, 1], [], []>, transpose_lhs_hint = false} : vector<128x256xbf16>, vector<256x256xbf16>, vector<128x256xf32> -> vector<128x256xf32>
    %add3A_94 = vector.broadcast %slice3A_87 : vector<128x1xf32> to vector<128x256xf32>
    %add3A_95 = arith.addf %dot_general3A_93, %add3A_94 : vector<128x256xf32>
    %slice3A_96 = vector.extract_strided_slice %add3A_95 {offsets = [0, 255], sizes = [128, 1], strides = [1, 1]} : vector<128x256xf32> to vector<128x1xf32>
    %slice3A_97 = vector.extract_strided_slice %convert_element_type3A_49 {offsets = [0, 1280], sizes = [128, 256], strides = [1, 1]} : vector<128x4096xbf16> to vector<128x256xbf16>
    %get3A_98 = arith.constant 0 : index
    %get3A_99 = arith.constant 0 : index
    %get3A_100 = vector.load %arg3[%get3A_98, %get3A_99] : memref<256x256xbf16, #tpu.memory_space<vmem>>, vector<256x256xbf16>
    %dot_general3A_101 = arith.constant dense<0.000000e+00> : vector<128x256xf32>
    %dot_general3A_102 = tpu.matmul %slice3A_97, %get3A_100, %dot_general3A_101 {dimension_numbers = #tpu.dot_dimension_numbers<[1], [0], [0], [1], [0, 0, 1, 1], [], []>, transpose_lhs_hint = false} : vector<128x256xbf16>, vector<256x256xbf16>, vector<128x256xf32> -> vector<128x256xf32>
    %add3A_103 = vector.broadcast %slice3A_96 : vector<128x1xf32> to vector<128x256xf32>
    %add3A_104 = arith.addf %dot_general3A_102, %add3A_103 : vector<128x256xf32>
    %slice3A_105 = vector.extract_strided_slice %add3A_104 {offsets = [0, 255], sizes = [128, 1], strides = [1, 1]} : vector<128x256xf32> to vector<128x1xf32>
    %slice3A_106 = vector.extract_strided_slice %convert_element_type3A_49 {offsets = [0, 1536], sizes = [128, 256], strides = [1, 1]} : vector<128x4096xbf16> to vector<128x256xbf16>
    %get3A_107 = arith.constant 0 : index
    %get3A_108 = arith.constant 0 : index
    %get3A_109 = vector.load %arg3[%get3A_107, %get3A_108] : memref<256x256xbf16, #tpu.memory_space<vmem>>, vector<256x256xbf16>
    %dot_general3A_110 = arith.constant dense<0.000000e+00> : vector<128x256xf32>
    %dot_general3A_111 = tpu.matmul %slice3A_106, %get3A_109, %dot_general3A_110 {dimension_numbers = #tpu.dot_dimension_numbers<[1], [0], [0], [1], [0, 0, 1, 1], [], []>, transpose_lhs_hint = false} : vector<128x256xbf16>, vector<256x256xbf16>, vector<128x256xf32> -> vector<128x256xf32>
    %add3A_112 = vector.broadcast %slice3A_105 : vector<128x1xf32> to vector<128x256xf32>
    %add3A_113 = arith.addf %dot_general3A_111, %add3A_112 : vector<128x256xf32>
    %slice3A_114 = vector.extract_strided_slice %add3A_113 {offsets = [0, 255], sizes = [128, 1], strides = [1, 1]} : vector<128x256xf32> to vector<128x1xf32>
    %slice3A_115 = vector.extract_strided_slice %convert_element_type3A_49 {offsets = [0, 1792], sizes = [128, 256], strides = [1, 1]} : vector<128x4096xbf16> to vector<128x256xbf16>
    %get3A_116 = arith.constant 0 : index
    %get3A_117 = arith.constant 0 : index
    %get3A_118 = vector.load %arg3[%get3A_116, %get3A_117] : memref<256x256xbf16, #tpu.memory_space<vmem>>, vector<256x256xbf16>
    %dot_general3A_119 = arith.constant dense<0.000000e+00> : vector<128x256xf32>
    %dot_general3A_120 = tpu.matmul %slice3A_115, %get3A_118, %dot_general3A_119 {dimension_numbers = #tpu.dot_dimension_numbers<[1], [0], [0], [1], [0, 0, 1, 1], [], []>, transpose_lhs_hint = false} : vector<128x256xbf16>, vector<256x256xbf16>, vector<128x256xf32> -> vector<128x256xf32>
    %add3A_121 = vector.broadcast %slice3A_114 : vector<128x1xf32> to vector<128x256xf32>
    %add3A_122 = arith.addf %dot_general3A_120, %add3A_121 : vector<128x256xf32>
    %slice3A_123 = vector.extract_strided_slice %add3A_122 {offsets = [0, 255], sizes = [128, 1], strides = [1, 1]} : vector<128x256xf32> to vector<128x1xf32>
    %slice3A_124 = vector.extract_strided_slice %convert_element_type3A_49 {offsets = [0, 2048], sizes = [128, 256], strides = [1, 1]} : vector<128x4096xbf16> to vector<128x256xbf16>
    %get3A_125 = arith.constant 0 : index
    %get3A_126 = arith.constant 0 : index
    %get3A_127 = vector.load %arg3[%get3A_125, %get3A_126] : memref<256x256xbf16, #tpu.memory_space<vmem>>, vector<256x256xbf16>
    %dot_general3A_128 = arith.constant dense<0.000000e+00> : vector<128x256xf32>
    %dot_general3A_129 = tpu.matmul %slice3A_124, %get3A_127, %dot_general3A_128 {dimension_numbers = #tpu.dot_dimension_numbers<[1], [0], [0], [1], [0, 0, 1, 1], [], []>, transpose_lhs_hint = false} : vector<128x256xbf16>, vector<256x256xbf16>, vector<128x256xf32> -> vector<128x256xf32>
    %add3A_130 = vector.broadcast %slice3A_123 : vector<128x1xf32> to vector<128x256xf32>
    %add3A_131 = arith.addf %dot_general3A_129, %add3A_130 : vector<128x256xf32>
    %slice3A_132 = vector.extract_strided_slice %add3A_131 {offsets = [0, 255], sizes = [128, 1], strides = [1, 1]} : vector<128x256xf32> to vector<128x1xf32>
    %slice3A_133 = vector.extract_strided_slice %convert_element_type3A_49 {offsets = [0, 2304], sizes = [128, 256], strides = [1, 1]} : vector<128x4096xbf16> to vector<128x256xbf16>
    %get3A_134 = arith.constant 0 : index
    %get3A_135 = arith.constant 0 : index
    %get3A_136 = vector.load %arg3[%get3A_134, %get3A_135] : memref<256x256xbf16, #tpu.memory_space<vmem>>, vector<256x256xbf16>
    %dot_general3A_137 = arith.constant dense<0.000000e+00> : vector<128x256xf32>
    %dot_general3A_138 = tpu.matmul %slice3A_133, %get3A_136, %dot_general3A_137 {dimension_numbers = #tpu.dot_dimension_numbers<[1], [0], [0], [1], [0, 0, 1, 1], [], []>, transpose_lhs_hint = false} : vector<128x256xbf16>, vector<256x256xbf16>, vector<128x256xf32> -> vector<128x256xf32>
    %add3A_139 = vector.broadcast %slice3A_132 : vector<128x1xf32> to vector<128x256xf32>
    %add3A_140 = arith.addf %dot_general3A_138, %add3A_139 : vector<128x256xf32>
    %slice3A_141 = vector.extract_strided_slice %add3A_140 {offsets = [0, 255], sizes = [128, 1], strides = [1, 1]} : vector<128x256xf32> to vector<128x1xf32>
    %slice3A_142 = vector.extract_strided_slice %convert_element_type3A_49 {offsets = [0, 2560], sizes = [128, 256], strides = [1, 1]} : vector<128x4096xbf16> to vector<128x256xbf16>
    %get3A_143 = arith.constant 0 : index
    %get3A_144 = arith.constant 0 : index
    %get3A_145 = vector.load %arg3[%get3A_143, %get3A_144] : memref<256x256xbf16, #tpu.memory_space<vmem>>, vector<256x256xbf16>
    %dot_general3A_146 = arith.constant dense<0.000000e+00> : vector<128x256xf32>
    %dot_general3A_147 = tpu.matmul %slice3A_142, %get3A_145, %dot_general3A_146 {dimension_numbers = #tpu.dot_dimension_numbers<[1], [0], [0], [1], [0, 0, 1, 1], [], []>, transpose_lhs_hint = false} : vector<128x256xbf16>, vector<256x256xbf16>, vector<128x256xf32> -> vector<128x256xf32>
    %add3A_148 = vector.broadcast %slice3A_141 : vector<128x1xf32> to vector<128x256xf32>
    %add3A_149 = arith.addf %dot_general3A_147, %add3A_148 : vector<128x256xf32>
    %slice3A_150 = vector.extract_strided_slice %add3A_149 {offsets = [0, 255], sizes = [128, 1], strides = [1, 1]} : vector<128x256xf32> to vector<128x1xf32>
    %slice3A_151 = vector.extract_strided_slice %convert_element_type3A_49 {offsets = [0, 2816], sizes = [128, 256], strides = [1, 1]} : vector<128x4096xbf16> to vector<128x256xbf16>
    %get3A_152 = arith.constant 0 : index
    %get3A_153 = arith.constant 0 : index
    %get3A_154 = vector.load %arg3[%get3A_152, %get3A_153] : memref<256x256xbf16, #tpu.memory_space<vmem>>, vector<256x256xbf16>
    %dot_general3A_155 = arith.constant dense<0.000000e+00> : vector<128x256xf32>
    %dot_general3A_156 = tpu.matmul %slice3A_151, %get3A_154, %dot_general3A_155 {dimension_numbers = #tpu.dot_dimension_numbers<[1], [0], [0], [1], [0, 0, 1, 1], [], []>, transpose_lhs_hint = false} : vector<128x256xbf16>, vector<256x256xbf16>, vector<128x256xf32> -> vector<128x256xf32>
    %add3A_157 = vector.broadcast %slice3A_150 : vector<128x1xf32> to vector<128x256xf32>
    %add3A_158 = arith.addf %dot_general3A_156, %add3A_157 : vector<128x256xf32>
    %slice3A_159 = vector.extract_strided_slice %add3A_158 {offsets = [0, 255], sizes = [128, 1], strides = [1, 1]} : vector<128x256xf32> to vector<128x1xf32>
    %slice3A_160 = vector.extract_strided_slice %convert_element_type3A_49 {offsets = [0, 3072], sizes = [128, 256], strides = [1, 1]} : vector<128x4096xbf16> to vector<128x256xbf16>
    %get3A_161 = arith.constant 0 : index
    %get3A_162 = arith.constant 0 : index
    %get3A_163 = vector.load %arg3[%get3A_161, %get3A_162] : memref<256x256xbf16, #tpu.memory_space<vmem>>, vector<256x256xbf16>
    %dot_general3A_164 = arith.constant dense<0.000000e+00> : vector<128x256xf32>
    %dot_general3A_165 = tpu.matmul %slice3A_160, %get3A_163, %dot_general3A_164 {dimension_numbers = #tpu.dot_dimension_numbers<[1], [0], [0], [1], [0, 0, 1, 1], [], []>, transpose_lhs_hint = false} : vector<128x256xbf16>, vector<256x256xbf16>, vector<128x256xf32> -> vector<128x256xf32>
    %add3A_166 = vector.broadcast %slice3A_159 : vector<128x1xf32> to vector<128x256xf32>
    %add3A_167 = arith.addf %dot_general3A_165, %add3A_166 : vector<128x256xf32>
    %slice3A_168 = vector.extract_strided_slice %add3A_167 {offsets = [0, 255], sizes = [128, 1], strides = [1, 1]} : vector<128x256xf32> to vector<128x1xf32>
    %slice3A_169 = vector.extract_strided_slice %convert_element_type3A_49 {offsets = [0, 3328], sizes = [128, 256], strides = [1, 1]} : vector<128x4096xbf16> to vector<128x256xbf16>
    %get3A_170 = arith.constant 0 : index
    %get3A_171 = arith.constant 0 : index
    %get3A_172 = vector.load %arg3[%get3A_170, %get3A_171] : memref<256x256xbf16, #tpu.memory_space<vmem>>, vector<256x256xbf16>
    %dot_general3A_173 = arith.constant dense<0.000000e+00> : vector<128x256xf32>
    %dot_general3A_174 = tpu.matmul %slice3A_169, %get3A_172, %dot_general3A_173 {dimension_numbers = #tpu.dot_dimension_numbers<[1], [0], [0], [1], [0, 0, 1, 1], [], []>, transpose_lhs_hint = false} : vector<128x256xbf16>, vector<256x256xbf16>, vector<128x256xf32> -> vector<128x256xf32>
    %add3A_175 = vector.broadcast %slice3A_168 : vector<128x1xf32> to vector<128x256xf32>
    %add3A_176 = arith.addf %dot_general3A_174, %add3A_175 : vector<128x256xf32>
    %slice3A_177 = vector.extract_strided_slice %add3A_176 {offsets = [0, 255], sizes = [128, 1], strides = [1, 1]} : vector<128x256xf32> to vector<128x1xf32>
    %slice3A_178 = vector.extract_strided_slice %convert_element_type3A_49 {offsets = [0, 3584], sizes = [128, 256], strides = [1, 1]} : vector<128x4096xbf16> to vector<128x256xbf16>
    %get3A_179 = arith.constant 0 : index
    %get3A_180 = arith.constant 0 : index
    %get3A_181 = vector.load %arg3[%get3A_179, %get3A_180] : memref<256x256xbf16, #tpu.memory_space<vmem>>, vector<256x256xbf16>
    %dot_general3A_182 = arith.constant dense<0.000000e+00> : vector<128x256xf32>
    %dot_general3A_183 = tpu.matmul %slice3A_178, %get3A_181, %dot_general3A_182 {dimension_numbers = #tpu.dot_dimension_numbers<[1], [0], [0], [1], [0, 0, 1, 1], [], []>, transpose_lhs_hint = false} : vector<128x256xbf16>, vector<256x256xbf16>, vector<128x256xf32> -> vector<128x256xf32>
    %add3A_184 = vector.broadcast %slice3A_177 : vector<128x1xf32> to vector<128x256xf32>
    %add3A_185 = arith.addf %dot_general3A_183, %add3A_184 : vector<128x256xf32>
    %slice3A_186 = vector.extract_strided_slice %add3A_185 {offsets = [0, 255], sizes = [128, 1], strides = [1, 1]} : vector<128x256xf32> to vector<128x1xf32>
    %slice3A_187 = vector.extract_strided_slice %convert_element_type3A_49 {offsets = [0, 3840], sizes = [128, 256], strides = [1, 1]} : vector<128x4096xbf16> to vector<128x256xbf16>
    %get3A_188 = arith.constant 0 : index
    %get3A_189 = arith.constant 0 : index
    %get3A_190 = vector.load %arg3[%get3A_188, %get3A_189] : memref<256x256xbf16, #tpu.memory_space<vmem>>, vector<256x256xbf16>
    %dot_general3A_191 = arith.constant dense<0.000000e+00> : vector<128x256xf32>
    %dot_general3A_192 = tpu.matmul %slice3A_187, %get3A_190, %dot_general3A_191 {dimension_numbers = #tpu.dot_dimension_numbers<[1], [0], [0], [1], [0, 0, 1, 1], [], []>, transpose_lhs_hint = false} : vector<128x256xbf16>, vector<256x256xbf16>, vector<128x256xf32> -> vector<128x256xf32>
    %add3A_193 = vector.broadcast %slice3A_186 : vector<128x1xf32> to vector<128x256xf32>
    %add3A_194 = arith.addf %dot_general3A_192, %add3A_193 : vector<128x256xf32>
    %slice3A_195 = vector.extract_strided_slice %add3A_194 {offsets = [0, 255], sizes = [128, 1], strides = [1, 1]} : vector<128x256xf32> to vector<128x1xf32>
    %concatenate3A_196 = tpu.concatenate %add3A_59, %add3A_68, %add3A_77, %add3A_86, %add3A_95, %add3A_104, %add3A_113, %add3A_122, %add3A_131, %add3A_140, %add3A_149, %add3A_158, %add3A_167, %add3A_176, %add3A_185, %add3A_194 in 1 : vector<128x256xf32>, vector<128x256xf32>, vector<128x256xf32>, vector<128x256xf32>, vector<128x256xf32>, vector<128x256xf32>, vector<128x256xf32>, vector<128x256xf32>, vector<128x256xf32>, vector<128x256xf32>, vector<128x256xf32>, vector<128x256xf32>, vector<128x256xf32>, vector<128x256xf32>, vector<128x256xf32>, vector<128x256xf32> -> vector<128x4096xf32>
    %slice3A_197 = vector.extract_strided_slice %concatenate3A_196 {offsets = [0, 0], sizes = [64, 4096], strides = [1, 1]} : vector<128x4096xf32> to vector<64x4096xf32>
    %jit3A_198 = arith.constant 0.000000e+00 : f32
    %broadcast_in_dim3A_199 = vector.broadcast %jit3A_198 : f32 to vector<64x4096xf32>
    %select_n3A_200 = arith.select %eq3A_15, %slice3A_197, %broadcast_in_dim3A_199 : vector<64x4096xi1>, vector<64x4096xf32>
    %reduce_sum3A_201 = arith.constant dense<0.000000e+00> : vector<4096xf32>
    %reduce_sum3A_202 = vector.multi_reduction <add>, %select_n3A_200, %reduce_sum3A_201 [0] : vector<64x4096xf32> to vector<4096xf32>
    %sub3A_203 = arith.constant 1.000000e+00 : f32
    %sub3A_204 = vector.broadcast %sub3A_203 : f32 to vector<4096xf32>
    %sub3A_205 = arith.subf %reduce_sum3A_202, %sub3A_204 : vector<4096xf32>
    %slice3A_206 = vector.extract_strided_slice %concatenate3A_196 {offsets = [64, 0], sizes = [64, 4096], strides = [1, 1]} : vector<128x4096xf32> to vector<64x4096xf32>
    %jit3A_207 = arith.constant 0.000000e+00 : f32
    %broadcast_in_dim3A_208 = vector.broadcast %jit3A_207 : f32 to vector<64x4096xf32>
    %select_n3A_209 = arith.select %eq3A_31, %slice3A_206, %broadcast_in_dim3A_208 : vector<64x4096xi1>, vector<64x4096xf32>
    %reduce_sum3A_210 = arith.constant dense<0.000000e+00> : vector<4096xf32>
    %reduce_sum3A_211 = vector.multi_reduction <add>, %select_n3A_209, %reduce_sum3A_210 [0] : vector<64x4096xf32> to vector<4096xf32>
    %sub3A_212 = arith.constant 1.000000e+00 : f32
    %sub3A_213 = vector.broadcast %sub3A_212 : f32 to vector<4096xf32>
    %sub3A_214 = arith.subf %reduce_sum3A_211, %sub3A_213 : vector<4096xf32>
    %swap3A_215 = arith.constant 0 : index
    %swap3A_216 = arith.constant 0 : index
    %swap3A_217 = vector.load %arg12[%swap3A_215, %swap3A_216] : memref<128x1xf32, #tpu.memory_space<vmem>>, vector<128x1xf32>
    tpu.vector_store %arg12[%swap3A_215, %swap3A_216], %slice3A_195 {strides = array<i32>} : memref<128x1xf32, #tpu.memory_space<vmem>>, vector<128x1xf32>,
    %lt3A = arith.constant 1.024000e+03 : f32
    %lt3A_218 = vector.broadcast %lt3A : f32 to vector<4096xf32>
    %lt3A_219 = arith.cmpf olt, %sub3A_205, %lt3A_218 : vector<4096xf32>
    %jit3A_220 = arith.constant 0.000000e+00 : f32
    %broadcast_in_dim3A_221 = vector.broadcast %jit3A_220 : f32 to vector<4096xf32>
    %select_n3A_222 = arith.select %lt3A_219, %sub3A_205, %broadcast_in_dim3A_221 : vector<4096xi1>, vector<4096xf32>
    %swap3A_223 = arith.constant 0 : index
    %swap3A_224 = vector.load %arg4[%swap3A_223] : memref<4096xf32, #tpu.memory_space<vmem>>, vector<4096xf32>
    tpu.vector_store %arg4[%swap3A_223], %div3A_36 {strides = array<i32>} : memref<4096xf32, #tpu.memory_space<vmem>>, vector<4096xf32>,
    %swap3A_225 = arith.constant 0 : index
    %swap3A_226 = vector.load %arg5[%swap3A_225] : memref<4096xf32, #tpu.memory_space<vmem>>, vector<4096xf32>
    tpu.vector_store %arg5[%swap3A_225], %mul3A {strides = array<i32>} : memref<4096xf32, #tpu.memory_space<vmem>>, vector<4096xf32>,
    %swap3A_227 = arith.constant 0 : index
    %swap3A_228 = vector.load %arg6[%swap3A_227] : memref<4096xi32, #tpu.memory_space<vmem>>, vector<4096xi32>
    tpu.vector_store %arg6[%swap3A_227], %reduce_min3A_12 {strides = array<i32>} : memref<4096xi32, #tpu.memory_space<vmem>>, vector<4096xi32>,
    %swap3A_229 = arith.constant 0 : index
    %swap3A_230 = vector.load %arg7[%swap3A_229] : memref<4096xi32, #tpu.memory_space<vmem>>, vector<4096xi32>
    tpu.vector_store %arg7[%swap3A_229], %reduce_min3A_28 {strides = array<i32>} : memref<4096xi32, #tpu.memory_space<vmem>>, vector<4096xi32>,
    %convert_element_type3A_231 = arith.fptosi %select_n3A_222 : vector<4096xf32> to vector<4096xi32>
    %swap3A_232 = arith.constant 0 : index
    %swap3A_233 = vector.load %arg8[%swap3A_232] : memref<4096xi32, #tpu.memory_space<vmem>>, vector<4096xi32>
    tpu.vector_store %arg8[%swap3A_232], %convert_element_type3A_231 {strides = array<i32>} : memref<4096xi32, #tpu.memory_space<vmem>>, vector<4096xi32>,
    %convert_element_type3A_234 = arith.fptosi %sub3A_214 : vector<4096xf32> to vector<4096xi32>
    %swap3A_235 = arith.constant 0 : index
    %swap3A_236 = vector.load %arg9[%swap3A_235] : memref<4096xi32, #tpu.memory_space<vmem>>, vector<4096xi32>
    tpu.vector_store %arg9[%swap3A_235], %convert_element_type3A_234 {strides = array<i32>} : memref<4096xi32, #tpu.memory_space<vmem>>, vector<4096xi32>,
    %eq3A_237 = arith.constant 7 : i32
    %eq3A_238 = arith.cmpi eq, %arg0, %eq3A_237 : i32
    %convert_element_type3A_239 = arith.extui %eq3A_238 : i1 to i32
    %cond3A_240 = arith.constant 0 : i32
    %cond3A_241 = arith.cmpi ne, %convert_element_type3A_239, %cond3A_240 : i32
    scf.if %cond3A_241 {
      %get3A_242 = arith.constant 0 : index
      %get3A_243 = arith.constant 0 : index
      %get3A_244 = vector.load %arg12[%get3A_242, %get3A_243] : memref<128x1xf32, #tpu.memory_space<vmem>>, vector<128x1xf32>
      %slice3A_245 = vector.extract_strided_slice %get3A_244 {offsets = [0, 0], sizes = [64, 1], strides = [1, 1]} : vector<128x1xf32> to vector<64x1xf32>
      %swap3A_246 = arith.constant 0 : index
      %swap3A_247 = arith.constant 0 : index
      %swap3A_248 = vector.load %arg10[%swap3A_246, %swap3A_247] : memref<64x1xf32, #tpu.memory_space<vmem>>, vector<64x1xf32>
      tpu.vector_store %arg10[%swap3A_246, %swap3A_247], %slice3A_245 {strides = array<i32>} : memref<64x1xf32, #tpu.memory_space<vmem>>, vector<64x1xf32>,
      %get3A_249 = arith.constant 0 : index
      %get3A_250 = arith.constant 0 : index
      %get3A_251 = vector.load %arg13[%get3A_249, %get3A_250] : memref<64x4096xf32, #tpu.memory_space<vmem>>, vector<64x4096xf32>
      %reduce_sum3A_252 = arith.constant dense<0.000000e+00> : vector<64xf32>
      %reduce_sum3A_253 = vector.multi_reduction <add>, %get3A_251, %reduce_sum3A_252 [1] : vector<64x4096xf32> to vector<64xf32>
      %broadcast_in_dim3A_254 = vector.shape_cast %reduce_sum3A_253 : vector<64xf32> to vector<64x1xf32>
      %min3A = arith.constant 1.024000e+03 : f32
      %min3A_255 = vector.broadcast %min3A : f32 to vector<64x1xf32>
      %min3A_256 = arith.minimumf %slice3A_245, %min3A_255 : vector<64x1xf32>
      %mul3A_257 = arith.mulf %broadcast_in_dim3A_254, %min3A_256 : vector<64x1xf32>
      %reduce_sum3A_258 = arith.constant dense<0.000000e+00> : vector<1xf32>
      %reduce_sum3A_259 = vector.multi_reduction <add>, %mul3A_257, %reduce_sum3A_258 [0] : vector<64x1xf32> to vector<1xf32>
      %broadcast_in_dim3A_260 = vector.shape_cast %reduce_sum3A_259 : vector<1xf32> to vector<1x1xf32>
      %mul3A_261 = arith.constant 5.96046448E-8 : f32
      %mul3A_262 = vector.broadcast %mul3A_261 : f32 to vector<1x1xf32>
      %mul3A_263 = arith.mulf %broadcast_in_dim3A_260, %mul3A_262 : vector<1x1xf32>
      %swap3A_264 = arith.constant 0 : index
      %swap3A_265 = arith.constant 0 : index
      %swap3A_266 = vector.load %arg11[%swap3A_264, %swap3A_265] : memref<1x1xf32, #tpu.memory_space<vmem>>, vector<1x1xf32>
      tpu.vector_store %arg11[%swap3A_264, %swap3A_265], %mul3A_263 {strides = array<i32>} : memref<1x1xf32, #tpu.memory_space<vmem>>, vector<1x1xf32>,
    } else {
    }
    return
  }
  func.func @transform_0(%arg0: i32) -> (i32, i32) {
    %c0_i32 = arith.constant 0 : i32
    %c0_i32_0 = arith.constant 0 : i32
    return %arg0, %c0_i32 : i32, i32
  }
  func.func @transform_1(%arg0: i32) -> (i32, i32) {
    %c0_i32 = arith.constant 0 : i32
    %c0_i32_0 = arith.constant 0 : i32
    %c0_i32_1 = arith.constant 0 : i32
    return %c0_i32, %c0_i32_0 : i32, i32
  }
  func.func @transform_2(%arg0: i32) -> (i32, i32) {
    %c0_i32 = arith.constant 0 : i32
    %c0_i32_0 = arith.constant 0 : i32
    %c0_i32_1 = arith.constant 0 : i32
    return %c0_i32, %c0_i32_0 : i32, i32
  }
  func.func @transform_3(%arg0: i32) -> i32 {
    %c0_i32 = arith.constant 0 : i32
    return %arg0 : i32
  }
  func.func @transform_4(%arg0: i32) -> i32 {
    %c0_i32 = arith.constant 0 : i32
    return %arg0 : i32
  }
  func.func @transform_5(%arg0: i32) -> i32 {
    %c0_i32 = arith.constant 0 : i32
    return %arg0 : i32
  }
  func.func @transform_6(%arg0: i32) -> i32 {
    %c0_i32 = arith.constant 0 : i32
    return %arg0 : i32
  }
  func.func @transform_7(%arg0: i32) -> i32 {
    %c0_i32 = arith.constant 0 : i32
    return %arg0 : i32
  }
  func.func @transform_8(%arg0: i32) -> i32 {
    %c0_i32 = arith.constant 0 : i32
    return %arg0 : i32
  }
  func.func @transform_9(%arg0: i32) -> (i32, i32) {
    %c0_i32 = arith.constant 0 : i32
    %c0_i32_0 = arith.constant 0 : i32
    %c0_i32_1 = arith.constant 0 : i32
    return %c0_i32, %c0_i32_0 : i32, i32
  }
  func.func @transform_10(%arg0: i32) -> (i32, i32) {
    %c0_i32 = arith.constant 0 : i32
    %c0_i32_0 = arith.constant 0 : i32
    %c0_i32_1 = arith.constant 0 : i32
    return %c0_i32, %c0_i32_0 : i32, i32
  }
}

</mosaic_0001>

<sc_bundles>
// kernel: kernel.4.cloned.1.call-start
scs
__scs_entry_jumppad:
0x0: {  	(pc) =	sbr.rel $0x88, $3  }
0x1: {  	(tag) =	ssettag $0x0;
	lr =	simm.s32 $0x1  }
0x2: {  	[smem:$0x3F9F] =	sst lr;
	_ =	strace $0xD0000000  }
0x3: {  	_ = 	snop  }
0x4: {  	_ = 	snop  }
0x5: {  	_ = 	snop  }
0x6: {  	_ = 	snop  }
0x7: {  	_ = 	snop  }
__scs_overlays_trampoline_lowered:
0x8: {  	[smem:$0x3FAE] =	sst s0  }
0x9: {  	[smem:$0x3FAF] =	sst s1  }
0xa: {  	[smem:$0x3FB0] =	sst s2  }
0xb: {  	[smem:$0x3FB1] =	sst s3  }
0xc: {  	[smem:$0x3FB2] =	sst s4  }
0xd: {  	[smem:$0x3FB3] =	sst s5  }
0xe: {  	[smem:$0x3FB4] =	sst s6  }
0xf: {  	[smem:$0x3FB5] =	sst s7  }
0x10: {  	[smem:$0x3FB6] =	sst s8  }
0x11: {  	[smem:$0x3FB7] =	sst s9;
	s0 =	simm.s32 @!p0 $0x0  }
0x12: {  	s1 =	sld [smem:$0x3F9D];
	s0 =	simm.s32 @p0 $0x1  }
0x13: {  	[smem:$0x3FB8] =	sst s0;
	s0 =	simm.s32 @!p1 $0x0  }
0x14: {  	s2 =	sld [smem:$0x3F9C];
	s0 =	simm.s32 @p1 $0x1  }
0x15: {  	[smem:$0x3FB9] =	sst s0;
	s0 =	simm.s32 @!p2 $0x0  }
0x16: {  	s3 =	sld [smem:$0x3FDB];
	s0 =	simm.s32 @p2 $0x1  }
0x17: {  	s4 =	simm.s32 $0x1BF5;
	[smem:$0x3FBB] =	sst s0  }
0x18: {  	s0 =	sld [smem:$0x3F9E];
	_ =	swait.ge [sflag:s4], $0x0  }
0x19: {  	s7 =	sld [smem:$0x3F9F]  }
0x1a: {  	s8 =	sadd.s32 $0xFFFFE003, lr  }
0x1b: {  	s9 =	sadd.s32 $0xFFFFFEF7, lr;
	s5 =	simm.s32 $0xFFFFFFFF;
	p2 =	slt.u32 s8, $0xFFFFF086  }
0x1c: {  	p1 =	slt.u32 s9, $0xF7A;
	s5 =	simm.s32 @!p2 $0x0  }
0x1d: {  	s5 =	simm.s32 @p1 $0x1;
	p0 =	seq.s32 s7, s2  }
0x1e: {  	s7 =	smul.u32 @!p0 $0xF7A, s2;
	p2 =	seq.s32 @!p0 s5, $0x0  }
0x1f: {  	s9 =	smul.u32 $0xF7A, s1;
	s8 =	simm.s32 @!p0 $0x1BF5;
	p2 =	por !p2, p0  }
0x20: {  	[sflag:s8] =	ssyncset.s32 @!p0 $0xFFFFF086;
	s6 =	sadd.s32 @!p0 s3, s7;
	s7 =	simm.s32 @!p0 $0x108  }
0x21: {  	s3 =	sadd.s32 s3, s9;
	s6 =	sadd.s32 @!p0 $0x88, s6;
	s7 =	simm.s32 @p2 $0x1082  }
0x22: {  	[simem:s7], [sflag:s8] =	dma.local @!p0 [hbm:s6], $0xF7A  }
0x23: {  	s9 =	sor.u32 $0xD0000000, s2;
	s6 =	simm.s32 $0x108;
	_ =	swait.ge @!p0 [sflag:s8], $0x0  }
0x24: {  	s3 =	sadd.s32 $0x88, s3;
	s6 =	simm.s32 @!p1 $0x1082;
	[sflag:s4] =	ssyncset.s32 $0xFFFFF086  }
0x25: {  	[simem:s6], [sflag:s4] =	dma.local [hbm:s3], $0xF7A  }
0x26: {  	[smem:$0x3F9F] =	sst s1;
	(tag) =	ssettag s2;
	_ =	strace s9  }
0x27: {  	s1 =	sld [smem:$0x3FAF]  }
0x28: {  	s2 =	sld [smem:$0x3FB0]  }
0x29: {  	s4 =	sld [smem:$0x3FB2]  }
0x2a: {  	p0 =	seq.s32 s5, $0x0;
	s5 =	sld [smem:$0x3FB3]  }
0x2b: {  	s6 =	sld [smem:$0x3FB4]  }
0x2c: {  	s7 =	sld [smem:$0x3FB5]  }
0x2d: {  	s3 =	simm.s32 $0x108;
	s8 =	sld [smem:$0x3FB6]  }
0x2e: {  	s3 =	simm.s32 @!p0 $0x1082;
	s9 =	sld [smem:$0x3FB7]  }
0x2f: {  	lr =	sadd.s32 s0, s3;
	s0 =	sld [smem:$0x3FAE]  }
0x30: {  	s3 =	sld [smem:$0x3FB1]  }
0x31: {  	[smem:$0x3FBA] =	sst s10  }
0x32: {  	s10 =	sld [smem:$0x3FB8];
	_ =	sdelay $0x3  }
0x33: {  	p0 =	seq.s32 s10, $0x1;
	s10 =	sld [smem:$0x3FBA];
	_ =	sdelay $0x3  }
0x34: {  	[smem:$0x3FBA] =	sst s10  }
0x35: {  	s10 =	sld [smem:$0x3FB9];
	_ =	sdelay $0x3  }
0x36: {  	p1 =	seq.s32 s10, $0x1;
	s10 =	sld [smem:$0x3FBA];
	_ =	sdelay $0x3  }
0x37: {  	[smem:$0x3FBA] =	sst s10  }
0x38: {  	s10 =	sld [smem:$0x3FBB]  }
0x39: {  	_ = 	snop;
	(pc) =	sbr.ind lr, $3  }
0x3a: {  	_ = 	snop  }
0x3b: {  	_ = 	snop  }
0x3c: {  	p2 =	seq.s32 s10, $0x1;
	s10 =	sld [smem:$0x3FBA]  }
0x3d: {  	_ =	shalt  }
0x3e: {  	_ =	shalt  }
0x3f: {  	_ =	shalt  }
0x40: {  	_ =	shalt  }
0x41: {  	_ =	shalt  }
0x42: {  	_ =	shalt  }
0x43: {  	_ =	shalt  }
0x44: {  	_ =	shalt  }
0x45: {  	_ =	shalt  }
0x46: {  	_ =	shalt  }
0x47: {  	_ =	shalt  }
0x48: {  	_ =	shalt  }
0x49: {  	_ =	shalt  }
0x4a: {  	_ =	shalt  }
0x4b: {  	_ =	shalt  }
0x4c: {  	_ =	shalt  }
0x4d: {  	_ =	shalt  }
0x4e: {  	_ =	shalt  }
0x4f: {  	_ =	shalt  }
0x50: {  	_ =	shalt  }
0x51: {  	_ =	shalt  }
0x52: {  	_ =	shalt  }
0x53: {  	_ =	shalt  }
0x54: {  	_ =	shalt  }
0x55: {  	_ =	shalt  }
0x56: {  	_ =	shalt  }
0x57: {  	_ =	shalt  }
0x58: {  	_ =	shalt  }
0x59: {  	_ =	shalt  }
0x5a: {  	_ =	shalt  }
0x5b: {  	_ =	shalt  }
0x5c: {  	_ =	shalt  }
0x5d: {  	_ =	shalt  }
0x5e: {  	_ =	shalt  }
0x5f: {  	_ =	shalt  }
0x60: {  	_ =	shalt  }
0x61: {  	_ =	shalt  }
0x62: {  	_ =	shalt  }
0x63: {  	_ =	shalt  }
0x64: {  	_ =	shalt  }
0x65: {  	_ =	shalt  }
0x66: {  	_ =	shalt  }
0x67: {  	_ =	shalt  }
0x68: {  	_ =	shalt  }
0x69: {  	_ =	shalt  }
0x6a: {  	_ =	shalt  }
0x6b: {  	_ =	shalt  }
0x6c: {  	_ =	shalt  }
0x6d: {  	_ =	shalt  }
0x6e: {  	_ =	shalt  }
0x6f: {  	_ =	shalt  }
0x70: {  	_ =	shalt  }
0x71: {  	_ =	shalt  }
0x72: {  	_ =	shalt  }
0x73: {  	_ =	shalt  }
0x74: {  	_ =	shalt  }
0x75: {  	_ =	shalt  }
0x76: {  	_ =	shalt  }
0x77: {  	_ =	shalt  }
0x78: {  	_ =	shalt  }
0x79: {  	_ =	shalt  }
0x7a: {  	_ =	shalt  }
0x7b: {  	_ =	shalt  }
0x7c: {  	_ =	shalt  }
0x7d: {  	_ =	shalt  }
0x7e: {  	_ =	shalt  }
0x7f: {  	_ =	shalt  }
0x80: {  	_ =	shalt  }
0x81: {  	_ =	shalt  }
0x82: {  	_ =	shalt  }
0x83: {  	_ =	shalt  }
0x84: {  	_ =	shalt  }
0x85: {  	_ =	shalt  }
0x86: {  	_ =	shalt  }
0x87: {  	_ =	shalt  }
.Lfunc_end0:
.L_simem_size_0:
called_computation_lowered:
.L_overlay_start_0:
0x88: {  	s2 =	sld [smem:$0x3FD9]  }
0x89: {  	s3 =	sld [smem:$0x3FFE];
	_ =	sdelay $0x1  }
0x8a: {  	s1 =	srdreg.scid  }
0x8b: {  	s0 =	sand.u32 $0x1, s1  }
0x8c: {  	s14 =	sshll.u32 s0, $0xA;
	s2 =	sadd.s32 s3, s2  }
0x8d: {  	s2 =	sadd.s32 s2, s14  }
0x8e: {  	[smem:$0x3FC6] =	sst s2  }
0x8f: {  	_ = 	snop  }
0x90: {  	s2 =	sld [smem:$0x3FD0];
	_ =	sdelay $0x2  }
0x91: {  	s15 =	simm.s32 $0xA;
	s4 =	simm.s32 $0x10  }
0x92: {  	[smem:s4], [sflag:s15] =	dma.local [hbm:s2], $0x1  }
0x93: {  	_ =	swait.eq [sflag:s15], $0x1  }
0x94: {  	[sflag:s15] =	ssyncset.done $0x0  }
0x95: {  	s16 =	sld [smem:$0x14];
	[sflag:s15] =	ssyncadd.s32 $0xFFFFFFFF  }
0x96: {  	s17 =	sld [smem:$0x16];
	(tm) =	ssettm $0x1  }
0x97: {  	s18 =	sld [smem:$0x3FFB];
	_ =	sdelay $0x3  }
0x98: {  	_ =	strace s18  }
0x99: {  	s4 =	sld [smem:$0x3FFC];
	_ =	sdelay $0x3  }
0x9a: {  	_ =	strace s4  }
0x9b: {  	s4 =	sld [smem:$0x3FFD];
	_ =	sdelay $0x3  }
0x9c: {  	_ =	strace s4  }
0x9d: {  	_ =	strace $0x8FFFFFFF  }
0x9e: {  	s19 =	sld [smem:$0x3FDB];
	_ =	sdelay $0x1  }
0x9f: {  	s5 =	simm.s32 $_scs_section_size  }
0xa0: {  	s6 =	simm.s32 $_size__tile_overlayer_lowered;
	s7 =	simm.s32 $_tile_overlayer_lowered  }
0xa1: {  	s22 =	simm.s32 $0x1BFF;
	s21 =	sshll.u32 s7, $0x1;
	s4 =	sadd.s32 s5, s19  }
0xa2: {  	s8 =	simm.s32 $0x0;
	s20 =	sshll.u32 s6, $0x1;
	s6 =	sadd.s32 s21, s4  }
0xa3: {  	[timem:s8], [sflag:s22] =	dma.local [hbm:s6], s20  }
0xa4: {  	_ =	swait.ge [sflag:s22], s20  }
0xa5: {  	s5 =	ssub.s32 $0x0, s20;
	[sflag:s22] =	ssyncset.done $0x0  }
0xa6: {  	[sflag:s22] =	ssyncadd.s32 s5;
	_ =	sdelay $0x1  }
0xa7: {  	s23 =	simm.s32 $0x1B8B  }
0xa8: {  	_ =	swait.ge [sflag:s23], $0x1  }
0xa9: {  	[sflag:s23] =	ssyncset.done $0x0  }
0xaa: {  	s25 =	simm.s32 $0x1B8E;
	s24 =	sld [smem:$0x3FFE];
	[sflag:s23] =	ssyncadd.s32 $0xFFFFFFFF  }
0xab: {  	s26 =	simm.s32 $execute0_lowered;
	[smem:$0x3FD2] =	sst s25  }
0xac: {  	s6 =	sshll.u32 s26, $0x1;
	_ =	strace $0x80000046;
	[dreg:$0x1] =	wrdreg $0xFFFFFFFF  }
0xad: {  	s28 =	simm.s32 $_size_execute0_lowered;
	s4 =	sadd.s32 s4, s6;
	[dreg:$0x0] =	wrdreg $0x0  }
0xae: {  	s6 =	sshll.u32 s28, $0x1;
	[dreg:$0x2] =	wrdreg s4  }
0xaf: {  	[dreg:$0x3] =	wrdreg s6  }
0xb0: {  	[dreg:$0x4] =	wrdreg $0xC0  }
0xb1: {  	_ =	task [dreg:s8], $0x5FFFF  }
0xb2: {  	[dreg:$0x1] =	wrdreg $0xFFFFFFFF  }
0xb3: {  	[dreg:$0x0] =	wrdreg $0x60  }
0xb4: {  	[dreg:$0x2] =	wrdreg s24  }
0xb5: {  	[dreg:$0x3] =	wrdreg s16  }
0xb6: {  	[dreg:$0x4] =	wrdreg s17  }
0xb7: {  	[dreg:$0x5] =	wrdreg $0x9  }
0xb8: {  	_ =	task.clear_ibuf [dreg:s8], $0x6FFFF;
	_ =	strace $0x90000046  }
0xb9: {  	s29 =	simm.s32 $0x9;
	_ =	strace $0x80000048  }
0xba: {  	_ =	swait.ge [sflag:s29], $0x1  }
0xbb: {  	[sflag:s29] =	ssyncadd.s32 $0xFFFFFFFF  }
0xbc: {  	_ =	strace $0x90000048  }
0xbd: {  	_ =	sfence  }
0xbe: {  	s30 =	sld [smem:$0x0];
	_ =	sdelay $0x2  }
0xbf: {  	s31 =	sshll.u32 s1, $0xD;
	s1 =	sshrl.u32 s1, $0x2  }
0xc0: {  	s3 =	sand.u32 $0x4000, s31;
	s1 =	sadd.s32 s1, s30  }
0xc1: {  	s0 =	sor.u32 s3, s0;
	s1 =	sshll.u32 s1, $0x11  }
0xc2: {  	s0 =	sor.u32 s1, s0  }
0xc3: {  	s0 =	sadd.s32 $0x8F2B, s0  }
0xc4: {  	[sflag:s0] =	ssyncadd.remote.s32 $0x1  }
0xc5: {  	_ =	sfence.sel $0xFFFF  }
0xc6: {  	[dreg:$0x0] =	wrdreg $0xFFFFFFFF;
	(pc) =	sbr.abs _section_cstart, $3  }
0xc7: {  	[dreg:$0x1] =	wrdreg $0xFFFFFFFF  }
0xc8: {  	_ =	task.clear_ibuf [dreg:s8], $0x2FFFF;
	_ =	strace $0x9FFFFFFF  }
0xc9: {  	(tm) =	ssettm $0x7FFFFFFF  }
tec
execute0_lowered:
.L_overlay_start_1:
0x0: {  	(tag) =	ssettag $0x1  }
0x1: {  	s3 =	rddreg [dreg:$0x0]  }
0x2: {  	s5 =	rddreg [dreg:$0x1]  }
0x3: {  	s6 =	rddreg [dreg:$0x2]  }
0x4: {  	s0 =	rddreg [dreg:$0x3];
	s2 =	simm.s32 $0x0;
	s4 =	srdreg.scid  }
0x5: {  	s1 =	stileid.u32;
	s10 =	simm.s32 $0x800;
	s11 =	simm.s32 $0x880  }
0x6: {  	s12 =	simm.s32 $0x0;
	[smem:$0x7FF] =	sst s2;
	s4 =	sand.u32 $0x1, s4  }
0x7: {  	s7 =	sshll.u32 s1, $0x8;
	s8 =	sshll.u32 s4, $0x7;
	s4 =	ssub.s32 $0x2, s4  }
0x8: {  	_ =	strace $0x80000047;
	s7 =	sor.u32 s8, s7;
	s31 =	sshrl.u32 s4, $0x1  }
0x9: {  	s9 =	sadd.s32 s7, s3;
	s3 =	sadd.s32 $0x1600, s3;
	s8 =	ssub.s32 s4, s31  }
0xa: {  	s5 =	sadd.s32 s5, s7;
	s6 =	sadd.s32 s6, s7;
	s4 =	sadd.s32 $0x600, s9  }
0xb: {  	s7 =	smax.u32 s8, $0x1;
	s8 =	simm.s32 $0x1;
	s9 =	simm.s32 $0x400  }
.LBB2_1:
0xc: {  	[tilespmem:s2], [sflag:$0x1] =	stream.linear.gather [hbm4b:s4+s2], $0x400, $0x38;
	[tilespmem:$0xC80] =	vst v63  }
0xd: {  	_ =	swait.ge [sflag:s8], $0x400  }
0xe: {  	[sflag:s8] =	ssyncset.done $0x0  }
0xf: {  	[sflag:s8] =	ssyncadd.s32 $0xFFFFFC00  }
0x10: {  	[tilespmem:s9], [sflag:$0x1] =	stream.linear.gather [hbm4b:s5+s2], $0x400, $0x38;
	[tilespmem:$0xC80] =	vst v63  }
0x11: {  	_ =	swait.ge [sflag:s8], $0x400  }
0x12: {  	[sflag:s8] =	ssyncset.done $0x0  }
0x13: {  	[sflag:s8] =	ssyncadd.s32 $0xFFFFFC00  }
0x14: {  	[tilespmem:s10], [sflag:$0x1] =	stream.linear.gather [hbm4b:s3+s2], $0x80, $0x38;
	[tilespmem:$0xC80] =	vst v63  }
0x15: {  	_ =	swait.ge [sflag:s8], $0x80  }
0x16: {  	[sflag:s8] =	ssyncset.done $0x0  }
0x17: {  	[sflag:s8] =	ssyncadd.s32 $0xFFFFFF80  }
0x18: {  	s13 =	simm.s32 $0x0;
	v0 =	vld [tilespmem:$0x820]  }
0x19: {  	v4 =	vld [tilespmem:s13+$0x400]  }
0x1a: {  	v3 =	vld [tilespmem:$0x830]  }
0x1b: {  	v2 =	vld [tilespmem:$0x810]  }
0x1c: {  	v1 =	vld [tilespmem:$0x800];
	_ =	sdelay $0x1  }
0x1d: {  	v5 =	vand.u32 $0xF, v4  }
0x1e: {  	v6 =	vshra.s32 v4, $0x4;
	v4 =	vperm.xlane v0, v5;
	v7 =	vperm.xlane v3, v5  }
0x1f: {  	v8 =	vperm.xlane v2, v5;
	vm0 =	veq.s32 v6, $0x2  }
0x20: {  	s14 =	simm.s32 $0x10;
	v9 =	vperm.xlane v1, v5;
	vm1 =	veq.s32 v6, $0x1;
	v5 =	vsel vm0, v4, v7;
	v4 =	vld [tilespmem:s13+$0x0]  }
0x21: {  	vm15 =	veq.s32 v6, $0x0;
	v6 =	vsel vm1, v8, v5;
	v5 =	vld [tilespmem:s14+$0x400];
	_ =	sdelay $0x3  }
0x22: {  	s15 =	simm.s32 $0x80;
	v6 =	vsel vm15, v9, v6  }
.LBB2_2:
0x23: {  	s16 =	sshra.s32 s15, $0x2;
	p0 =	sne.s32 s15, $0xFC0;
	s15 =	sadd.s32 $0x40, s15;
	v7 =	vand.u32 $0xF, v5;
	v8 =	vshra.s32 v5, $0x4;
	v6 =	vadd.s32 v4, v6;
	v4 =	vld [tilespmem:s14+$0x0]  }
.Ltmp0:
0x24: {  	v5 =	vld [tilespmem:s16+$0x400];
	v9 =	vperm.xlane v0, v7;
	v10 =	vperm.xlane v3, v7;
	vm0 =	vlt.s32 v6, $0x400;
	(pc) =	sbr.rel @p0 .LBB2_2-.Ltmp0, $4  }
0x25: {  	v11 =	vperm.xlane v2, v7;
	vm1 =	veq.s32 v8, $0x2;
	v6 =	vnsel vm0, $0x0, v6  }
0x26: {  	v7 =	vperm.xlane v1, v7;
	vm0 =	veq.s32 v8, $0x1;
	v9 =	vsel vm1, v9, v10;
	[tilespmem:s13+$0x880] =	vst v6;
	s13 =	smov.u32 s14;
	s14 =	smov.u32 s16  }
0x27: {  	vm1 =	veq.s32 v8, $0x0;
	v6 =	vsel vm0, v11, v9  }
0x28: {  	v6 =	vsel vm1, v7, v6  }
0x29: {  	v7 =	vand.u32 $0xF, v5  }
0x2a: {  	v61 =	vshra.s32 v5, $0x4;
	v8 =	vld [tilespmem:s14+$0x0];
	v0 =	vperm.xlane v0, v7;
	v3 =	vperm.xlane v3, v7  }
0x2b: {  	v2 =	vperm.xlane v2, v7;
	vm0 =	veq.s32 v61, $0x2  }
0x2c: {  	v1 =	vperm.xlane v1, v7;
	vm1 =	veq.s32 v61, $0x1;
	v0 =	vsel vm0, v0, v3  }
0x2d: {  	vm13 =	veq.s32 v61, $0x0;
	v0 =	vsel vm1, v2, v0  }
0x2e: {  	v62 =	vadd.s32 v4, v6;
	v0 =	vsel vm13, v1, v0  }
0x2f: {  	vm14 =	vlt.s32 v62, $0x400;
	v0 =	vadd.s32 v8, v0  }
0x30: {  	s12 =	sadd.s32 $0x1, s12;
	v63 =	vnsel vm14, $0x0, v62;
	vm15 =	vlt.s32 v0, $0x400  }
0x31: {  	p0 =	sne.s32 s12, s7;
	[tilespmem:s13+$0x880] =	vst v63;
	v0 =	vnsel vm15, $0x0, v0  }
.Ltmp1:
0x32: {  	[tilespmem:s14+$0x880] =	vst v0;
	(pc) =	sbr.rel @p0 .LBB2_1-.Ltmp1, $4  }
0x33: {  	[hbm4b:s6+s2] =	stream.linear.scatter [tilespmem:s11], [sflag:$0x1], $0x400, $0x38;
	[tilespmem:$0xC80] =	vst v63  }
0x34: {  	_ =	swait.ge [sflag:s8], $0x400  }
0x35: {  	[sflag:s8] =	ssyncset.done $0x0  }
0x36: {  	[sflag:s8] =	ssyncadd.s32 $0xFFFFFC00  }
0x37: {  	_ =	sfence.sel $0x180000  }
0x38: {  	[bflag:$0x0] =	sbarrier.arrive $0xFFFF  }
0x39: {  	p0 =	sne.s32 s1, $0x0;
	_ =	strace $0x90000047  }
0x3a: {  	s0 =	sadd.s32 @!p0 $0x100000, s0;
	[bflag:$0x2] =	sbarrier.arrive $0xFFFF  }
0x3b: {  	[sflag:s0] =	ssyncadd.tile.s32 @!p0 $0x1;
	_ =	shalt  }
.Lfunc_end2:
_tile_overlayer_lowered:
.L_overlay_start_2:
0x3c: {  	(tag) =	ssettag $0x2  }
0x3d: {  	s0 =	rddreg [dreg:$0x0];
	s2 =	stileid.u32  }
0x3e: {  	s1 =	rddreg [dreg:$0x1];
	p0 =	sne.s32 s2, $0x0  }
0x3f: {  	s3 =	rddreg [dreg:$0x2];
	[bflag:$0x3] =	sbarrier.arrive $0xFFFF;
	s2 =	simm.s32 @!p0 $0x1C01  }
0x40: {  	[timem:s3], [sflag:s2] =	dma.local @!p0 [hbm:s0], s1  }
0x41: {  	s0 =	simm.s32 @!p0 $0x1  }
0x42: {  	_ =	swait.ge @!p0 [sflag:s0], s1  }
0x43: {  	s1 =	ssub.s32 @!p0 $0x0, s1;
	[sflag:s0] =	ssyncset.done @!p0 $0x0  }
0x44: {  	[sflag:s0] =	ssyncadd.s32 @!p0 s1  }
0x45: {  	[bflag:$0x3] =	sbarrier.arrive $0xFFFF  }
0x46: {  	_ =	shalt  }

</sc_bundles>
